<compile_context>
chip_gen: v7x
topology: tpu7x:2x2x1
jax: 0.10.2.dev20260603
libtpu: 0.0.44.dev20260713+nightly
codegen_flags: <defaults>
</compile_context>

<pallas_src>
import functools

import jax
import jax.numpy as jnp
from jax import lax
from jax.experimental import pallas as pl
from jax.experimental.pallas import tpu as pltpu
from jax.experimental.pallas import tpu_sc as plsc

_K = 1024
_C = 21
_NW = 32
_ROWS = 2 * _C
_CK2 = _ROWS * _K
_NPB = 2048
_CHUNK = 8192
_UNROLL = 8


def _binpack_body(pred_ref, tgt_ref, out_ref):
    x = pred_ref[0]
    m = jnp.max(x, axis=0, keepdims=True)
    z = jnp.exp(x - m)
    p = z / jnp.sum(z, axis=0, keepdims=True)
    lab = tgt_ref[0]
    cls = lax.broadcasted_iota(jnp.int32, x.shape, 0)
    fg = cls == lab
    e = jnp.where(fg, 1.0 - p, p)
    k = jnp.clip((e * _K).astype(jnp.int32), 0, _K - 1)
    out_ref[0] = (jnp.where(fg, _C, 0) + cls) * _K + k


def _make_hist_kernel(total):
    per_w = total // _NW
    n_chunks = per_w // _CHUNK
    mesh = plsc.VectorSubcoreMesh(core_axis_name="c", subcore_axis_name="s")

    @functools.partial(
        pl.kernel,
        out_type=jax.ShapeDtypeStruct((_NW, _CK2), jnp.int32),
        mesh=mesh,
        scratch_types=[
            pltpu.VMEM((_CHUNK,), jnp.int32),
            pltpu.VMEM((_CK2,), jnp.int32),
        ],
        compiler_params=pltpu.CompilerParams(needs_layout_passes=False),
    )
    def hist_kernel(g_hbm, zeros_hbm, out_hbm, buf, hist_v):
        wid = lax.axis_index("s") * 2 + lax.axis_index("c")
        base = wid * per_w
        pltpu.sync_copy(zeros_hbm, hist_v)
        ones = jnp.full((16,), 1, jnp.int32)

        def chunk_body(ci, carry):
            pltpu.sync_copy(g_hbm.at[pl.ds(base + ci * _CHUNK, _CHUNK)], buf)

            def inner(i, c2):
                for u in range(_UNROLL):
                    idx = buf[pl.ds((i * _UNROLL + u) * 16, 16)]
                    plsc.addupdate_scatter(hist_v, [idx], ones)
                return c2

            lax.fori_loop(0, _CHUNK // (16 * _UNROLL), inner, 0)
            return carry

        lax.fori_loop(0, n_chunks, chunk_body, 0)
        pltpu.sync_copy(hist_v, out_hbm.at[wid])

    return hist_kernel


def _loss_body(h_ref, out_ref):
    hs = jnp.sum(h_ref[...].astype(jnp.float32), axis=0)
    f = hs[_C:]
    n = hs[:_C] + f
    r = lax.broadcasted_iota(jnp.int32, (_K, _K), 0)
    c = lax.broadcasted_iota(jnp.int32, (_K, _K), 1)
    mask = (r >= c).astype(jnp.float32)
    n_inc = jnp.dot(n, mask, preferred_element_type=jnp.float32)
    f_inc = jnp.dot(f, mask, preferred_element_type=jnp.float32)
    s = f_inc[:, :1]
    union = s + n_inc - f_inc
    inter = s - f_inc
    jac = jnp.where(union >= 0.5, 1.0 - inter / jnp.maximum(union, 1.0), 0.0)
    jac_next = jnp.concatenate(
        [jac[:, 1:], jnp.zeros((_C, 1), jnp.float32)], axis=1)
    kk = lax.broadcasted_iota(jnp.int32, (_C, _K), 1).astype(jnp.float32)
    mid = (kk + 0.5) * (1.0 / _K)
    out_ref[...] = jnp.sum(mid * (jac - jac_next), keepdims=True) * (1.0 / _C)


def kernel(pred, target):
    b, c, h, w = pred.shape
    pim = h * w
    pred3 = pred.reshape(b, c, pim)
    tgt3 = target.reshape(b, 1, pim).astype(jnp.int32)
    g = pl.pallas_call(
        _binpack_body,
        grid=(b, pim // _NPB),
        in_specs=[
            pl.BlockSpec((1, c, _NPB), lambda bi, j: (bi, 0, j)),
            pl.BlockSpec((1, 1, _NPB), lambda bi, j: (bi, 0, j)),
        ],
        out_specs=pl.BlockSpec((1, c, _NPB), lambda bi, j: (bi, 0, j)),
        out_shape=jax.ShapeDtypeStruct((b, c, pim), jnp.int32),
    )(pred3, tgt3)
    total = b * c * pim
    zeros = jnp.zeros((_CK2,), jnp.int32)
    hist = _make_hist_kernel(total)(g.reshape(total), zeros)
    loss = pl.pallas_call(
        _loss_body,
        out_shape=jax.ShapeDtypeStruct((1, 1), jnp.float32),
    )(hist.reshape(_NW, _ROWS, _K))
    return loss[0, 0]

# --- scband reference (transcript-rebuilt; emitter-appended) ---
"""Pipeline reference for scband-lovasz-softmax-loss-17575006175456 (READ-ONLY COPY).

The authoritative reference and input builder live on the scoring server;
editing this copy changes nothing except your own understanding.
"""

import jax, jax.numpy as jnp
import numpy as np


def setup_inputs(seed: int = 0) -> dict:
    key = jax.random.key(seed)
    k1, k2 = jax.random.split(key)
    pred = jax.random.normal(k1, (4, 21, 512, 512), dtype=jnp.float32)
    target = jax.random.randint(k2, (4, 512, 512), 0, 21, dtype=jnp.int32)
    return {"pred": pred, "target": target}


def lovasz_grad(gt_sorted):
    # gt_sorted: [P] float, sorted by descending error
    gts = gt_sorted.sum()
    intersection = gts - jnp.cumsum(gt_sorted)
    union = gts + jnp.cumsum(1.0 - gt_sorted)
    jaccard = 1.0 - intersection / union
    # jaccard[1:] = jaccard[1:] - jaccard[:-1]
    return jnp.concatenate([jaccard[:1], jaccard[1:] - jaccard[:-1]])


def reference(pred, target):
    # pred: [B, C, H, W] logits; target: [B, H, W] int labels
    probas = jax.nn.softmax(pred, axis=1)
    B, C, H, W = pred.shape
    pred_flat = jnp.transpose(probas, (0, 2, 3, 1)).reshape(-1, C)  # [P, C]
    labels = target.reshape(-1)  # [P]
    losses = []
    for c in range(C):  # classes='all'
        fg = (labels == c).astype(jnp.float32)  # [P]
        class_pred = pred_flat[:, c]
        errors = jnp.abs(fg - class_pred)
        order = jnp.argsort(-errors)  # descending sort permutation
        errors_sorted = errors[order]
        fg_sorted = fg[order]
        losses.append(jnp.dot(errors_sorted, lovasz_grad(fg_sorted)))
    return jnp.stack(losses).mean()

if __name__ == "__main__":
    import jax
    _d = setup_inputs()
    print(jax.jit(kernel)(*tuple(_d.values())))

</pallas_src>

<mosaic_0001>
#map = affine_map<(d0, d1) -> (0)>
#map1 = affine_map<(d0, d1) -> (0, 0)>
module attributes {stable_mosaic.version = 14 : i64} {
  func.func @hist_kernel(%arg0: i32, %arg1: i32, %arg2: memref<22020096xi32, #tpu.memory_space<hbm>>, %arg3: memref<43008xi32, #tpu.memory_space<hbm>>, %arg4: memref<32x43008xi32, #tpu.memory_space<hbm>>, %arg5: memref<8192xi32, #tpu.memory_space<vmem>>, %arg6: memref<43008xi32, #tpu.memory_space<vmem>>) attributes {dimension_semantics = [#tpu.dimension_semantics<core_parallel>, #tpu.dimension_semantics<subcore_parallel>], iteration_bounds = array<i64: 2, 16>, scalar_prefetch = 0 : i64, scratch_operands = 2 : i64, tpu.core_type = #tpu.core_type<sc_vector_subcore>, window_params = [{transform_indices = #map}, {transform_indices = #map}, {transform_indices = #map1}]} {
    %mul3A = arith.constant 2 : i32
    %mul3A_0 = arith.muli %arg1, %mul3A : i32
    %add3A = arith.addi %mul3A_0, %arg0 : i32
    %mul3A_1 = arith.constant 688128 : i32
    %mul3A_2 = arith.muli %add3A, %mul3A_1 : i32
    "tpu.region"() ({
      %run_scoped3A = tpu.sem_alloc : memref<!tpu.dma_semaphore, #tpu.memory_space<semaphore_mem>>
      tpu.enqueue_dma source(%arg3 : memref<43008xi32, #tpu.memory_space<hbm>>) target(%arg6 : memref<43008xi32, #tpu.memory_space<vmem>>) target_semaphore(%run_scoped3A : memref<!tpu.dma_semaphore, #tpu.memory_space<semaphore_mem>>)
      tpu.wait_dma2 semaphore(%run_scoped3A : memref<!tpu.dma_semaphore, #tpu.memory_space<semaphore_mem>>) src(%arg3 : memref<43008xi32, #tpu.memory_space<hbm>>) dst(%arg6 : memref<43008xi32, #tpu.memory_space<vmem>>)
      tpu.yield
    }) : () -> ()
    %broadcast_in_dim3A = arith.constant 1 : i32
    %broadcast_in_dim3A_3 = vector.broadcast %broadcast_in_dim3A : i32 to vector<16xi32>
    %scan3A = arith.constant 0 : i32
    %scan3A_4 = arith.constant 0 : i32
    %scan3A_5 = arith.constant 84 : i32
    %scan3A_6 = arith.addi %scan3A_4, %scan3A_5 : i32
    %scan3A_7 = arith.constant 1 : i32
    scf.for %scan3A_9 = %scan3A_4 to %scan3A_6 step %scan3A_7  : i32 {
      %mul3A_10 = arith.constant 8192 : i32
      %mul3A_11 = arith.muli %scan3A_9, %mul3A_10 : i32
      %add3A_12 = arith.addi %mul3A_2, %mul3A_11 : i32
      "tpu.region"() ({
        %run_scoped3A = tpu.sem_alloc : memref<!tpu.dma_semaphore, #tpu.memory_space<semaphore_mem>>
        %dma_start3A = tpu.memref_slice %arg2[%add3A_12] : memref<22020096xi32, #tpu.memory_space<hbm>> -> memref<8192xi32, #tpu.memory_space<hbm>>
        %dma_start3A_19 = tpu.memref_slice %arg2[%add3A_12] : memref<22020096xi32, #tpu.memory_space<hbm>> -> memref<8192xi32, #tpu.memory_space<hbm>>
        tpu.enqueue_dma source(%dma_start3A_19 : memref<8192xi32, #tpu.memory_space<hbm>>) target(%arg5 : memref<8192xi32, #tpu.memory_space<vmem>>) target_semaphore(%run_scoped3A : memref<!tpu.dma_semaphore, #tpu.memory_space<semaphore_mem>>)
        %dma_wait3A = tpu.memref_slice %arg2[%add3A_12] : memref<22020096xi32, #tpu.memory_space<hbm>> -> memref<8192xi32, #tpu.memory_space<hbm>>
        %dma_wait3A_20 = tpu.memref_slice %arg2[%add3A_12] : memref<22020096xi32, #tpu.memory_space<hbm>> -> memref<8192xi32, #tpu.memory_space<hbm>>
        tpu.wait_dma2 semaphore(%run_scoped3A : memref<!tpu.dma_semaphore, #tpu.memory_space<semaphore_mem>>) src(%dma_wait3A_20 : memref<8192xi32, #tpu.memory_space<hbm>>) dst(%arg5 : memref<8192xi32, #tpu.memory_space<vmem>>)
        tpu.yield
      }) : () -> ()
      %scan3A_13 = arith.constant 0 : i32
      %scan3A_14 = arith.constant 0 : i32
      %scan3A_15 = arith.constant 64 : i32
      %scan3A_16 = arith.addi %scan3A_14, %scan3A_15 : i32
      %scan3A_17 = arith.constant 1 : i32
      scf.for %scan3A_19 = %scan3A_14 to %scan3A_16 step %scan3A_17  : i32 {
        %mul3A_20 = arith.constant 8 : i32
        %mul3A_21 = arith.muli %scan3A_19, %mul3A_20 : i32
        %add3A_22 = arith.constant 0 : i32
        %add3A_23 = arith.addi %mul3A_21, %add3A_22 : i32
        %mul3A_24 = arith.constant 16 : i32
        %mul3A_25 = arith.muli %add3A_23, %mul3A_24 : i32
        %get3A = arith.index_cast %mul3A_25 : i32 to index
        %get3A_26 = tpu.vector_load %arg5[%get3A] {strides = array<i32>} : memref<8192xi32, #tpu.memory_space<vmem>>, vector<16xi32>,
        tpu.vector_store_idx %arg6[%get3A_26], %broadcast_in_dim3A_3 {add = true} : memref<43008xi32, #tpu.memory_space<vmem>>[vector<16xi32>], vector<16xi32>,
        %mul3A_27 = arith.constant 8 : i32
        %mul3A_28 = arith.muli %scan3A_19, %mul3A_27 : i32
        %add3A_29 = arith.constant 1 : i32
        %add3A_30 = arith.addi %mul3A_28, %add3A_29 : i32
        %mul3A_31 = arith.constant 16 : i32
        %mul3A_32 = arith.muli %add3A_30, %mul3A_31 : i32
        %get3A_33 = arith.index_cast %mul3A_32 : i32 to index
        %get3A_34 = tpu.vector_load %arg5[%get3A_33] {strides = array<i32>} : memref<8192xi32, #tpu.memory_space<vmem>>, vector<16xi32>,
        tpu.vector_store_idx %arg6[%get3A_34], %broadcast_in_dim3A_3 {add = true} : memref<43008xi32, #tpu.memory_space<vmem>>[vector<16xi32>], vector<16xi32>,
        %mul3A_35 = arith.constant 8 : i32
        %mul3A_36 = arith.muli %scan3A_19, %mul3A_35 : i32
        %add3A_37 = arith.constant 2 : i32
        %add3A_38 = arith.addi %mul3A_36, %add3A_37 : i32
        %mul3A_39 = arith.constant 16 : i32
        %mul3A_40 = arith.muli %add3A_38, %mul3A_39 : i32
        %get3A_41 = arith.index_cast %mul3A_40 : i32 to index
        %get3A_42 = tpu.vector_load %arg5[%get3A_41] {strides = array<i32>} : memref<8192xi32, #tpu.memory_space<vmem>>, vector<16xi32>,
        tpu.vector_store_idx %arg6[%get3A_42], %broadcast_in_dim3A_3 {add = true} : memref<43008xi32, #tpu.memory_space<vmem>>[vector<16xi32>], vector<16xi32>,
        %mul3A_43 = arith.constant 8 : i32
        %mul3A_44 = arith.muli %scan3A_19, %mul3A_43 : i32
        %add3A_45 = arith.constant 3 : i32
        %add3A_46 = arith.addi %mul3A_44, %add3A_45 : i32
        %mul3A_47 = arith.constant 16 : i32
        %mul3A_48 = arith.muli %add3A_46, %mul3A_47 : i32
        %get3A_49 = arith.index_cast %mul3A_48 : i32 to index
        %get3A_50 = tpu.vector_load %arg5[%get3A_49] {strides = array<i32>} : memref<8192xi32, #tpu.memory_space<vmem>>, vector<16xi32>,
        tpu.vector_store_idx %arg6[%get3A_50], %broadcast_in_dim3A_3 {add = true} : memref<43008xi32, #tpu.memory_space<vmem>>[vector<16xi32>], vector<16xi32>,
        %mul3A_51 = arith.constant 8 : i32
        %mul3A_52 = arith.muli %scan3A_19, %mul3A_51 : i32
        %add3A_53 = arith.constant 4 : i32
        %add3A_54 = arith.addi %mul3A_52, %add3A_53 : i32
        %mul3A_55 = arith.constant 16 : i32
        %mul3A_56 = arith.muli %add3A_54, %mul3A_55 : i32
        %get3A_57 = arith.index_cast %mul3A_56 : i32 to index
        %get3A_58 = tpu.vector_load %arg5[%get3A_57] {strides = array<i32>} : memref<8192xi32, #tpu.memory_space<vmem>>, vector<16xi32>,
        tpu.vector_store_idx %arg6[%get3A_58], %broadcast_in_dim3A_3 {add = true} : memref<43008xi32, #tpu.memory_space<vmem>>[vector<16xi32>], vector<16xi32>,
        %mul3A_59 = arith.constant 8 : i32
        %mul3A_60 = arith.muli %scan3A_19, %mul3A_59 : i32
        %add3A_61 = arith.constant 5 : i32
        %add3A_62 = arith.addi %mul3A_60, %add3A_61 : i32
        %mul3A_63 = arith.constant 16 : i32
        %mul3A_64 = arith.muli %add3A_62, %mul3A_63 : i32
        %get3A_65 = arith.index_cast %mul3A_64 : i32 to index
        %get3A_66 = tpu.vector_load %arg5[%get3A_65] {strides = array<i32>} : memref<8192xi32, #tpu.memory_space<vmem>>, vector<16xi32>,
        tpu.vector_store_idx %arg6[%get3A_66], %broadcast_in_dim3A_3 {add = true} : memref<43008xi32, #tpu.memory_space<vmem>>[vector<16xi32>], vector<16xi32>,
        %mul3A_67 = arith.constant 8 : i32
        %mul3A_68 = arith.muli %scan3A_19, %mul3A_67 : i32
        %add3A_69 = arith.constant 6 : i32
        %add3A_70 = arith.addi %mul3A_68, %add3A_69 : i32
        %mul3A_71 = arith.constant 16 : i32
        %mul3A_72 = arith.muli %add3A_70, %mul3A_71 : i32
        %get3A_73 = arith.index_cast %mul3A_72 : i32 to index
        %get3A_74 = tpu.vector_load %arg5[%get3A_73] {strides = array<i32>} : memref<8192xi32, #tpu.memory_space<vmem>>, vector<16xi32>,
        tpu.vector_store_idx %arg6[%get3A_74], %broadcast_in_dim3A_3 {add = true} : memref<43008xi32, #tpu.memory_space<vmem>>[vector<16xi32>], vector<16xi32>,
        %mul3A_75 = arith.constant 8 : i32
        %mul3A_76 = arith.muli %scan3A_19, %mul3A_75 : i32
        %add3A_77 = arith.constant 7 : i32
        %add3A_78 = arith.addi %mul3A_76, %add3A_77 : i32
        %mul3A_79 = arith.constant 16 : i32
        %mul3A_80 = arith.muli %add3A_78, %mul3A_79 : i32
        %get3A_81 = arith.index_cast %mul3A_80 : i32 to index
        %get3A_82 = tpu.vector_load %arg5[%get3A_81] {strides = array<i32>} : memref<8192xi32, #tpu.memory_space<vmem>>, vector<16xi32>,
        tpu.vector_store_idx %arg6[%get3A_82], %broadcast_in_dim3A_3 {add = true} : memref<43008xi32, #tpu.memory_space<vmem>>[vector<16xi32>], vector<16xi32>,
      }
      %scan3A_18 = arith.constant 64 : i32
    }
    %scan3A_8 = arith.constant 84 : i32
    "tpu.region"() ({
      %run_scoped3A = tpu.sem_alloc : memref<!tpu.dma_semaphore, #tpu.memory_space<semaphore_mem>>
      %dma_start3A = arith.constant 0 : i32
      %dma_start3A_9 = tpu.memref_slice %arg4[%add3A, %dma_start3A] : memref<32x43008xi32, #tpu.memory_space<hbm>> -> memref<1x43008xi32, #tpu.memory_space<hbm>>
      %dma_start3A_10 = tpu.memref_squeeze %dma_start3A_9 : memref<1x43008xi32, #tpu.memory_space<hbm>> -> memref<43008xi32, #tpu.memory_space<hbm>>
      %dma_start3A_11 = arith.constant 0 : i32
      %dma_start3A_12 = tpu.memref_slice %arg4[%add3A, %dma_start3A_11] : memref<32x43008xi32, #tpu.memory_space<hbm>> -> memref<1x43008xi32, #tpu.memory_space<hbm>>
      %dma_start3A_13 = tpu.memref_squeeze %dma_start3A_12 : memref<1x43008xi32, #tpu.memory_space<hbm>> -> memref<43008xi32, #tpu.memory_space<hbm>>
      tpu.enqueue_dma source(%arg6 : memref<43008xi32, #tpu.memory_space<vmem>>) target(%dma_start3A_13 : memref<43008xi32, #tpu.memory_space<hbm>>) target_semaphore(%run_scoped3A : memref<!tpu.dma_semaphore, #tpu.memory_space<semaphore_mem>>)
      %dma_wait3A = arith.constant 0 : i32
      %dma_wait3A_14 = tpu.memref_slice %arg4[%add3A, %dma_wait3A] : memref<32x43008xi32, #tpu.memory_space<hbm>> -> memref<1x43008xi32, #tpu.memory_space<hbm>>
      %dma_wait3A_15 = tpu.memref_squeeze %dma_wait3A_14 : memref<1x43008xi32, #tpu.memory_space<hbm>> -> memref<43008xi32, #tpu.memory_space<hbm>>
      %dma_wait3A_16 = arith.constant 0 : i32
      %dma_wait3A_17 = tpu.memref_slice %arg4[%add3A, %dma_wait3A_16] : memref<32x43008xi32, #tpu.memory_space<hbm>> -> memref<1x43008xi32, #tpu.memory_space<hbm>>
      %dma_wait3A_18 = tpu.memref_squeeze %dma_wait3A_17 : memref<1x43008xi32, #tpu.memory_space<hbm>> -> memref<43008xi32, #tpu.memory_space<hbm>>
      tpu.wait_dma2 semaphore(%run_scoped3A : memref<!tpu.dma_semaphore, #tpu.memory_space<semaphore_mem>>) src(%arg6 : memref<43008xi32, #tpu.memory_space<vmem>>) dst(%dma_wait3A_18 : memref<43008xi32, #tpu.memory_space<hbm>>)
      tpu.yield
    }) : () -> ()
    return
  }
}

module attributes {stable_mosaic.version = 14 : i64} {
  func.func @_binpack_body(%arg0: i32, %arg1: i32, %arg2: memref<1x21x2048xf32, #tpu.memory_space<vmem>>, %arg3: memref<1x1x2048xi32, #tpu.memory_space<vmem>>, %arg4: memref<1x21x2048xi32, #tpu.memory_space<vmem>>) attributes {dimension_semantics = [#tpu.dimension_semantics<arbitrary>, #tpu.dimension_semantics<arbitrary>], iteration_bounds = array<i64: 4, 128>, scalar_prefetch = 0 : i64, scratch_operands = 0 : i64, tpu.core_type = #tpu.core_type<tc>, window_params = [{transform_indices = @transform_0, window_bounds = array<i64: 1, 21, 2048>}, {transform_indices = @transform_1, window_bounds = array<i64: 1, 1, 2048>}, {transform_indices = @transform_2, window_bounds = array<i64: 1, 21, 2048>}]} {
    %get3A = arith.constant 0 : index
    %get3A_0 = arith.constant 0 : index
    %get3A_1 = arith.constant 0 : index
    %get3A_2 = vector.load %arg2[%get3A, %get3A_0, %get3A_1] : memref<1x21x2048xf32, #tpu.memory_space<vmem>>, vector<1x21x2048xf32>
    %get3A_3 = vector.shape_cast %get3A_2 : vector<1x21x2048xf32> to vector<21x2048xf32>
    %reduce_max3A = arith.constant dense<0xFF800000> : vector<2048xf32>
    %reduce_max3A_4 = vector.multi_reduction <maximumf>, %get3A_3, %reduce_max3A [0] : vector<21x2048xf32> to vector<2048xf32>
    %broadcast_in_dim3A = vector.shape_cast %reduce_max3A_4 : vector<2048xf32> to vector<1x2048xf32>
    %sub3A = vector.broadcast %broadcast_in_dim3A : vector<1x2048xf32> to vector<21x2048xf32>
    %sub3A_5 = arith.subf %get3A_3, %sub3A : vector<21x2048xf32>
    %exp3A = math.exp %sub3A_5 : vector<21x2048xf32>
    %reduce_sum3A = arith.constant dense<0.000000e+00> : vector<2048xf32>
    %reduce_sum3A_6 = vector.multi_reduction <add>, %exp3A, %reduce_sum3A [0] : vector<21x2048xf32> to vector<2048xf32>
    %broadcast_in_dim3A_7 = vector.shape_cast %reduce_sum3A_6 : vector<2048xf32> to vector<1x2048xf32>
    %div3A = vector.broadcast %broadcast_in_dim3A_7 : vector<1x2048xf32> to vector<21x2048xf32>
    %div3A_8 = arith.divf %exp3A, %div3A : vector<21x2048xf32>
    %get3A_9 = arith.constant 0 : index
    %get3A_10 = arith.constant 0 : index
    %get3A_11 = arith.constant 0 : index
    %get3A_12 = vector.load %arg3[%get3A_9, %get3A_10, %get3A_11] : memref<1x1x2048xi32, #tpu.memory_space<vmem>>, vector<1x1x2048xi32>
    %get3A_13 = vector.shape_cast %get3A_12 : vector<1x1x2048xi32> to vector<1x2048xi32>
    %iota3A = tpu.iota {dimensions = array<i32: 0>} : vector<21x2048xi32>
    %eq3A = vector.broadcast %get3A_13 : vector<1x2048xi32> to vector<21x2048xi32>
    %eq3A_14 = arith.cmpi eq, %iota3A, %eq3A : vector<21x2048xi32>
    %sub3A_15 = arith.constant 1.000000e+00 : f32
    %sub3A_16 = vector.broadcast %sub3A_15 : f32 to vector<21x2048xf32>
    %sub3A_17 = arith.subf %sub3A_16, %div3A_8 : vector<21x2048xf32>
    %select_n3A = arith.select %eq3A_14, %sub3A_17, %div3A_8 : vector<21x2048xi1>, vector<21x2048xf32>
    %mul3A = arith.constant 1.024000e+03 : f32
    %mul3A_18 = vector.broadcast %mul3A : f32 to vector<21x2048xf32>
    %mul3A_19 = arith.mulf %select_n3A, %mul3A_18 : vector<21x2048xf32>
    %convert_element_type3A = arith.fptosi %mul3A_19 : vector<21x2048xf32> to vector<21x2048xi32>
    %jit3A = arith.constant 0 : i32
    %jit3A_20 = arith.constant 1023 : i32
    %max3A = vector.broadcast %jit3A : i32 to vector<21x2048xi32>
    %max3A_21 = arith.maxsi %max3A, %convert_element_type3A : vector<21x2048xi32>
    %min3A = vector.broadcast %jit3A_20 : i32 to vector<21x2048xi32>
    %min3A_22 = arith.minsi %min3A, %max3A_21 : vector<21x2048xi32>
    %jit3A_23 = arith.constant 21 : i32
    %jit3A_24 = arith.constant 0 : i32
    %broadcast_in_dim3A_25 = vector.broadcast %jit3A_23 : i32 to vector<21x2048xi32>
    %broadcast_in_dim3A_26 = vector.broadcast %jit3A_24 : i32 to vector<21x2048xi32>
    %select_n3A_27 = arith.select %eq3A_14, %broadcast_in_dim3A_25, %broadcast_in_dim3A_26 : vector<21x2048xi1>, vector<21x2048xi32>
    %add3A = arith.addi %select_n3A_27, %iota3A : vector<21x2048xi32>
    %mul3A_28 = arith.constant 1024 : i32
    %mul3A_29 = vector.broadcast %mul3A_28 : i32 to vector<21x2048xi32>
    %mul3A_30 = arith.muli %add3A, %mul3A_29 : vector<21x2048xi32>
    %add3A_31 = arith.addi %mul3A_30, %min3A_22 : vector<21x2048xi32>
    %swap3A = arith.constant 0 : index
    %swap3A_32 = arith.constant 0 : index
    %swap3A_33 = arith.constant 0 : index
    %swap3A_34 = vector.load %arg4[%swap3A, %swap3A_32, %swap3A_33] : memref<1x21x2048xi32, #tpu.memory_space<vmem>>, vector<1x21x2048xi32>
    %swap3A_35 = vector.shape_cast %swap3A_34 : vector<1x21x2048xi32> to vector<21x2048xi32>
    %swap3A_36 = vector.shape_cast %add3A_31 : vector<21x2048xi32> to vector<1x21x2048xi32>
    tpu.vector_store %arg4[%swap3A, %swap3A_32, %swap3A_33], %swap3A_36 {strides = array<i32>} : memref<1x21x2048xi32, #tpu.memory_space<vmem>>, vector<1x21x2048xi32>,
    return
  }
  func.func @transform_0(%arg0: i32, %arg1: i32) -> (i32, i32, i32) {
    %c0_i32 = arith.constant 0 : i32
    %c0_i32_0 = arith.constant 0 : i32
    return %arg0, %c0_i32, %arg1 : i32, i32, i32
  }
  func.func @transform_1(%arg0: i32, %arg1: i32) -> (i32, i32, i32) {
    %c0_i32 = arith.constant 0 : i32
    %c0_i32_0 = arith.constant 0 : i32
    return %arg0, %c0_i32, %arg1 : i32, i32, i32
  }
  func.func @transform_2(%arg0: i32, %arg1: i32) -> (i32, i32, i32) {
    %c0_i32 = arith.constant 0 : i32
    %c0_i32_0 = arith.constant 0 : i32
    return %arg0, %c0_i32, %arg1 : i32, i32, i32
  }
}

module attributes {stable_mosaic.version = 14 : i64} {
  func.func @_loss_body(%arg0: memref<32x42x1024xi32, #tpu.memory_space<vmem>>, %arg1: memref<1x1xf32, #tpu.memory_space<vmem>>) attributes {dimension_semantics = [], scalar_prefetch = 0 : i64, scratch_operands = 0 : i64, tpu.core_type = #tpu.core_type<tc>} {
    %get3A = arith.constant 0 : index
    %get3A_0 = arith.constant 0 : index
    %get3A_1 = arith.constant 0 : index
    %get3A_2 = vector.load %arg0[%get3A, %get3A_0, %get3A_1] : memref<32x42x1024xi32, #tpu.memory_space<vmem>>, vector<32x42x1024xi32>
    %convert_element_type3A = arith.sitofp %get3A_2 : vector<32x42x1024xi32> to vector<32x42x1024xf32>
    %reduce_sum3A = arith.constant dense<0.000000e+00> : vector<42x1024xf32>
    %reduce_sum3A_3 = vector.multi_reduction <add>, %convert_element_type3A, %reduce_sum3A [0] : vector<32x42x1024xf32> to vector<42x1024xf32>
    %slice3A = vector.extract_strided_slice %reduce_sum3A_3 {offsets = [21, 0], sizes = [21, 1024], strides = [1, 1]} : vector<42x1024xf32> to vector<21x1024xf32>
    %slice3A_4 = vector.extract_strided_slice %reduce_sum3A_3 {offsets = [0, 0], sizes = [21, 1024], strides = [1, 1]} : vector<42x1024xf32> to vector<21x1024xf32>
    %add3A = arith.addf %slice3A_4, %slice3A : vector<21x1024xf32>
    %iota3A = tpu.iota {dimensions = array<i32: 0>} : vector<1024x1024xi32>
    %iota3A_5 = tpu.iota {dimensions = array<i32: 1>} : vector<1024x1024xi32>
    %ge3A = arith.cmpi sge, %iota3A, %iota3A_5 : vector<1024x1024xi32>
    %convert_element_type3A_6 = arith.extui %ge3A : vector<1024x1024xi1> to vector<1024x1024xi32>
    %convert_element_type3A_7 = arith.sitofp %convert_element_type3A_6 : vector<1024x1024xi32> to vector<1024x1024xf32>
    %dot_general3A = arith.constant dense<0.000000e+00> : vector<21x1024xf32>
    %dot_general3A_8 = tpu.matmul %add3A, %convert_element_type3A_7, %dot_general3A {dimension_numbers = #tpu.dot_dimension_numbers<[1], [0], [0], [1], [0, 0, 1, 1], [], []>, transpose_lhs_hint = false} : vector<21x1024xf32>, vector<1024x1024xf32>, vector<21x1024xf32> -> vector<21x1024xf32>
    %dot_general3A_9 = arith.constant dense<0.000000e+00> : vector<21x1024xf32>
    %dot_general3A_10 = tpu.matmul %slice3A, %convert_element_type3A_7, %dot_general3A_9 {dimension_numbers = #tpu.dot_dimension_numbers<[1], [0], [0], [1], [0, 0, 1, 1], [], []>, transpose_lhs_hint = false} : vector<21x1024xf32>, vector<1024x1024xf32>, vector<21x1024xf32> -> vector<21x1024xf32>
    %slice3A_11 = vector.extract_strided_slice %dot_general3A_10 {offsets = [0, 0], sizes = [21, 1], strides = [1, 1]} : vector<21x1024xf32> to vector<21x1xf32>
    %add3A_12 = vector.broadcast %slice3A_11 : vector<21x1xf32> to vector<21x1024xf32>
    %add3A_13 = arith.addf %add3A_12, %dot_general3A_8 : vector<21x1024xf32>
    %sub3A = arith.subf %add3A_13, %dot_general3A_10 : vector<21x1024xf32>
    %sub3A_14 = vector.broadcast %slice3A_11 : vector<21x1xf32> to vector<21x1024xf32>
    %sub3A_15 = arith.subf %sub3A_14, %dot_general3A_10 : vector<21x1024xf32>
    %ge3A_16 = arith.constant 5.000000e-01 : f32
    %ge3A_17 = vector.broadcast %ge3A_16 : f32 to vector<21x1024xf32>
    %ge3A_18 = arith.cmpf oge, %sub3A, %ge3A_17 : vector<21x1024xf32>
    %max3A = arith.constant 1.000000e+00 : f32
    %max3A_19 = vector.broadcast %max3A : f32 to vector<21x1024xf32>
    %max3A_20 = arith.maximumf %sub3A, %max3A_19 : vector<21x1024xf32>
    %div3A = arith.divf %sub3A_15, %max3A_20 : vector<21x1024xf32>
    %sub3A_21 = arith.constant 1.000000e+00 : f32
    %sub3A_22 = vector.broadcast %sub3A_21 : f32 to vector<21x1024xf32>
    %sub3A_23 = arith.subf %sub3A_22, %div3A : vector<21x1024xf32>
    %jit3A = arith.constant 0.000000e+00 : f32
    %broadcast_in_dim3A = vector.broadcast %jit3A : f32 to vector<21x1024xf32>
    %select_n3A = arith.select %ge3A_18, %sub3A_23, %broadcast_in_dim3A : vector<21x1024xi1>, vector<21x1024xf32>
    %slice3A_24 = vector.extract_strided_slice %select_n3A {offsets = [0, 1], sizes = [21, 1023], strides = [1, 1]} : vector<21x1024xf32> to vector<21x1023xf32>
    %broadcast_in_dim3A_25 = arith.constant 0.000000e+00 : f32
    %broadcast_in_dim3A_26 = vector.broadcast %broadcast_in_dim3A_25 : f32 to vector<21x1xf32>
    %concatenate3A = tpu.concatenate %slice3A_24, %broadcast_in_dim3A_26 in 1 : vector<21x1023xf32>, vector<21x1xf32> -> vector<21x1024xf32>
    %iota3A_27 = tpu.iota {dimensions = array<i32: 1>} : vector<21x1024xi32>
    %convert_element_type3A_28 = arith.sitofp %iota3A_27 : vector<21x1024xi32> to vector<21x1024xf32>
    %add3A_29 = arith.constant 5.000000e-01 : f32
    %add3A_30 = vector.broadcast %add3A_29 : f32 to vector<21x1024xf32>
    %add3A_31 = arith.addf %convert_element_type3A_28, %add3A_30 : vector<21x1024xf32>
    %mul3A = arith.constant 9.765625E-4 : f32
    %mul3A_32 = vector.broadcast %mul3A : f32 to vector<21x1024xf32>
    %mul3A_33 = arith.mulf %add3A_31, %mul3A_32 : vector<21x1024xf32>
    %sub3A_34 = arith.subf %select_n3A, %concatenate3A : vector<21x1024xf32>
    %mul3A_35 = arith.mulf %mul3A_33, %sub3A_34 : vector<21x1024xf32>
    %reduce_sum3A_36 = vector.shape_cast %mul3A_35 : vector<21x1024xf32> to vector<1x21x1024xf32>
    %reduce_sum3A_37 = arith.constant dense<0.000000e+00> : vector<1xf32>
    %reduce_sum3A_38 = vector.multi_reduction <add>, %reduce_sum3A_36, %reduce_sum3A_37 [1, 2] : vector<1x21x1024xf32> to vector<1xf32>
    %reduce_sum3A_39 = vector.shape_cast %reduce_sum3A_38 : vector<1xf32> to vector<1x1x1xf32>
    %reduce_sum3A_40 = vector.extract %reduce_sum3A_39[0, 0, 0] : f32 from vector<1x1x1xf32>
    %broadcast_in_dim3A_41 = vector.broadcast %reduce_sum3A_40 : f32 to vector<1x1xf32>
    %mul3A_42 = arith.constant 0.0476190485 : f32
    %mul3A_43 = vector.broadcast %mul3A_42 : f32 to vector<1x1xf32>
    %mul3A_44 = arith.mulf %broadcast_in_dim3A_41, %mul3A_43 : vector<1x1xf32>
    %swap3A = arith.constant 0 : index
    %swap3A_45 = arith.constant 0 : index
    %swap3A_46 = vector.load %arg1[%swap3A, %swap3A_45] : memref<1x1xf32, #tpu.memory_space<vmem>>, vector<1x1xf32>
    tpu.vector_store %arg1[%swap3A, %swap3A_45], %mul3A_44 {strides = array<i32>} : memref<1x1xf32, #tpu.memory_space<vmem>>, vector<1x1xf32>,
    return
  }
}

</mosaic_0001>

<sc_bundles>
// kernel: kernel.5.cloned.1.call-start
scs
__scs_entry_jumppad:
0x0: {  	(pc) =	sbr.rel $0x88, $3  }
0x1: {  	(tag) =	ssettag $0x0;
	lr =	simm.s32 $0x1  }
0x2: {  	[smem:$0x3F9F] =	sst lr;
	_ =	strace $0xD0000000  }
0x3: {  	_ = 	snop  }
0x4: {  	_ = 	snop  }
0x5: {  	_ = 	snop  }
0x6: {  	_ = 	snop  }
0x7: {  	_ = 	snop  }
__scs_overlays_trampoline_lowered:
0x8: {  	[smem:$0x3FAE] =	sst s0  }
0x9: {  	[smem:$0x3FAF] =	sst s1  }
0xa: {  	[smem:$0x3FB0] =	sst s2  }
0xb: {  	[smem:$0x3FB1] =	sst s3  }
0xc: {  	[smem:$0x3FB2] =	sst s4  }
0xd: {  	[smem:$0x3FB3] =	sst s5  }
0xe: {  	[smem:$0x3FB4] =	sst s6  }
0xf: {  	[smem:$0x3FB5] =	sst s7  }
0x10: {  	[smem:$0x3FB6] =	sst s8  }
0x11: {  	[smem:$0x3FB7] =	sst s9;
	s0 =	simm.s32 @!p0 $0x0  }
0x12: {  	s1 =	sld [smem:$0x3F9D];
	s0 =	simm.s32 @p0 $0x1  }
0x13: {  	[smem:$0x3FB8] =	sst s0;
	s0 =	simm.s32 @!p1 $0x0  }
0x14: {  	s2 =	sld [smem:$0x3F9C];
	s0 =	simm.s32 @p1 $0x1  }
0x15: {  	[smem:$0x3FB9] =	sst s0;
	s0 =	simm.s32 @!p2 $0x0  }
0x16: {  	s3 =	sld [smem:$0x3FDB];
	s0 =	simm.s32 @p2 $0x1  }
0x17: {  	s4 =	simm.s32 $0x1BF5;
	[smem:$0x3FBB] =	sst s0  }
0x18: {  	s0 =	sld [smem:$0x3F9E];
	_ =	swait.ge [sflag:s4], $0x0  }
0x19: {  	s7 =	sld [smem:$0x3F9F]  }
0x1a: {  	s8 =	sadd.s32 $0xFFFFE003, lr  }
0x1b: {  	s9 =	sadd.s32 $0xFFFFFEF7, lr;
	s5 =	simm.s32 $0xFFFFFFFF;
	p2 =	slt.u32 s8, $0xFFFFF086  }
0x1c: {  	p1 =	slt.u32 s9, $0xF7A;
	s5 =	simm.s32 @!p2 $0x0  }
0x1d: {  	s5 =	simm.s32 @p1 $0x1;
	p0 =	seq.s32 s7, s2  }
0x1e: {  	s7 =	smul.u32 @!p0 $0xF7A, s2;
	p2 =	seq.s32 @!p0 s5, $0x0  }
0x1f: {  	s9 =	smul.u32 $0xF7A, s1;
	s8 =	simm.s32 @!p0 $0x1BF5;
	p2 =	por !p2, p0  }
0x20: {  	[sflag:s8] =	ssyncset.s32 @!p0 $0xFFFFF086;
	s6 =	sadd.s32 @!p0 s3, s7;
	s7 =	simm.s32 @!p0 $0x108  }
0x21: {  	s3 =	sadd.s32 s3, s9;
	s6 =	sadd.s32 @!p0 $0x88, s6;
	s7 =	simm.s32 @p2 $0x1082  }
0x22: {  	[simem:s7], [sflag:s8] =	dma.local @!p0 [hbm:s6], $0xF7A  }
0x23: {  	s9 =	sor.u32 $0xD0000000, s2;
	s6 =	simm.s32 $0x108;
	_ =	swait.ge @!p0 [sflag:s8], $0x0  }
0x24: {  	s3 =	sadd.s32 $0x88, s3;
	s6 =	simm.s32 @!p1 $0x1082;
	[sflag:s4] =	ssyncset.s32 $0xFFFFF086  }
0x25: {  	[simem:s6], [sflag:s4] =	dma.local [hbm:s3], $0xF7A  }
0x26: {  	[smem:$0x3F9F] =	sst s1;
	(tag) =	ssettag s2;
	_ =	strace s9  }
0x27: {  	s1 =	sld [smem:$0x3FAF]  }
0x28: {  	s2 =	sld [smem:$0x3FB0]  }
0x29: {  	s4 =	sld [smem:$0x3FB2]  }
0x2a: {  	p0 =	seq.s32 s5, $0x0;
	s5 =	sld [smem:$0x3FB3]  }
0x2b: {  	s6 =	sld [smem:$0x3FB4]  }
0x2c: {  	s7 =	sld [smem:$0x3FB5]  }
0x2d: {  	s3 =	simm.s32 $0x108;
	s8 =	sld [smem:$0x3FB6]  }
0x2e: {  	s3 =	simm.s32 @!p0 $0x1082;
	s9 =	sld [smem:$0x3FB7]  }
0x2f: {  	lr =	sadd.s32 s0, s3;
	s0 =	sld [smem:$0x3FAE]  }
0x30: {  	s3 =	sld [smem:$0x3FB1]  }
0x31: {  	[smem:$0x3FBA] =	sst s10  }
0x32: {  	s10 =	sld [smem:$0x3FB8];
	_ =	sdelay $0x3  }
0x33: {  	p0 =	seq.s32 s10, $0x1;
	s10 =	sld [smem:$0x3FBA];
	_ =	sdelay $0x3  }
0x34: {  	[smem:$0x3FBA] =	sst s10  }
0x35: {  	s10 =	sld [smem:$0x3FB9];
	_ =	sdelay $0x3  }
0x36: {  	p1 =	seq.s32 s10, $0x1;
	s10 =	sld [smem:$0x3FBA];
	_ =	sdelay $0x3  }
0x37: {  	[smem:$0x3FBA] =	sst s10  }
0x38: {  	s10 =	sld [smem:$0x3FBB]  }
0x39: {  	_ = 	snop;
	(pc) =	sbr.ind lr, $3  }
0x3a: {  	_ = 	snop  }
0x3b: {  	_ = 	snop  }
0x3c: {  	p2 =	seq.s32 s10, $0x1;
	s10 =	sld [smem:$0x3FBA]  }
0x3d: {  	_ =	shalt  }
0x3e: {  	_ =	shalt  }
0x3f: {  	_ =	shalt  }
0x40: {  	_ =	shalt  }
0x41: {  	_ =	shalt  }
0x42: {  	_ =	shalt  }
0x43: {  	_ =	shalt  }
0x44: {  	_ =	shalt  }
0x45: {  	_ =	shalt  }
0x46: {  	_ =	shalt  }
0x47: {  	_ =	shalt  }
0x48: {  	_ =	shalt  }
0x49: {  	_ =	shalt  }
0x4a: {  	_ =	shalt  }
0x4b: {  	_ =	shalt  }
0x4c: {  	_ =	shalt  }
0x4d: {  	_ =	shalt  }
0x4e: {  	_ =	shalt  }
0x4f: {  	_ =	shalt  }
0x50: {  	_ =	shalt  }
0x51: {  	_ =	shalt  }
0x52: {  	_ =	shalt  }
0x53: {  	_ =	shalt  }
0x54: {  	_ =	shalt  }
0x55: {  	_ =	shalt  }
0x56: {  	_ =	shalt  }
0x57: {  	_ =	shalt  }
0x58: {  	_ =	shalt  }
0x59: {  	_ =	shalt  }
0x5a: {  	_ =	shalt  }
0x5b: {  	_ =	shalt  }
0x5c: {  	_ =	shalt  }
0x5d: {  	_ =	shalt  }
0x5e: {  	_ =	shalt  }
0x5f: {  	_ =	shalt  }
0x60: {  	_ =	shalt  }
0x61: {  	_ =	shalt  }
0x62: {  	_ =	shalt  }
0x63: {  	_ =	shalt  }
0x64: {  	_ =	shalt  }
0x65: {  	_ =	shalt  }
0x66: {  	_ =	shalt  }
0x67: {  	_ =	shalt  }
0x68: {  	_ =	shalt  }
0x69: {  	_ =	shalt  }
0x6a: {  	_ =	shalt  }
0x6b: {  	_ =	shalt  }
0x6c: {  	_ =	shalt  }
0x6d: {  	_ =	shalt  }
0x6e: {  	_ =	shalt  }
0x6f: {  	_ =	shalt  }
0x70: {  	_ =	shalt  }
0x71: {  	_ =	shalt  }
0x72: {  	_ =	shalt  }
0x73: {  	_ =	shalt  }
0x74: {  	_ =	shalt  }
0x75: {  	_ =	shalt  }
0x76: {  	_ =	shalt  }
0x77: {  	_ =	shalt  }
0x78: {  	_ =	shalt  }
0x79: {  	_ =	shalt  }
0x7a: {  	_ =	shalt  }
0x7b: {  	_ =	shalt  }
0x7c: {  	_ =	shalt  }
0x7d: {  	_ =	shalt  }
0x7e: {  	_ =	shalt  }
0x7f: {  	_ =	shalt  }
0x80: {  	_ =	shalt  }
0x81: {  	_ =	shalt  }
0x82: {  	_ =	shalt  }
0x83: {  	_ =	shalt  }
0x84: {  	_ =	shalt  }
0x85: {  	_ =	shalt  }
0x86: {  	_ =	shalt  }
0x87: {  	_ =	shalt  }
.Lfunc_end0:
.L_simem_size_0:
called_computation_lowered:
.L_overlay_start_0:
0x88: {  	s2 =	sld [smem:$0x3FD9]  }
0x89: {  	s3 =	sld [smem:$0x3FFE];
	_ =	sdelay $0x1  }
0x8a: {  	s1 =	srdreg.scid  }
0x8b: {  	s0 =	sand.u32 $0x1, s1  }
0x8c: {  	s16 =	sshll.u32 s0, $0xA;
	s2 =	sadd.s32 s3, s2  }
0x8d: {  	s2 =	sadd.s32 s2, s16  }
0x8e: {  	[smem:$0x3FC6] =	sst s2  }
0x8f: {  	_ = 	snop  }
0x90: {  	(tm) =	ssettm $0x1  }
0x91: {  	s17 =	sld [smem:$0x3FFB];
	_ =	sdelay $0x3  }
0x92: {  	_ =	strace s17  }
0x93: {  	s2 =	sld [smem:$0x3FFC];
	_ =	sdelay $0x3  }
0x94: {  	_ =	strace s2  }
0x95: {  	s2 =	sld [smem:$0x3FFD];
	_ =	sdelay $0x3  }
0x96: {  	_ =	strace s2  }
0x97: {  	_ =	strace $0x8FFFFFFF  }
0x98: {  	s18 =	sld [smem:$0x3FDB];
	_ =	sdelay $0x1  }
0x99: {  	s19 =	simm.s32 $_scs_section_size  }
0x9a: {  	s4 =	simm.s32 $_size__tile_overlayer_lowered;
	s5 =	simm.s32 $_tile_overlayer_lowered  }
0x9b: {  	s22 =	simm.s32 $0x1BFF;
	s21 =	sshll.u32 s5, $0x1;
	s2 =	sadd.s32 s19, s18  }
0x9c: {  	s6 =	simm.s32 $0x0;
	s20 =	sshll.u32 s4, $0x1;
	s4 =	sadd.s32 s21, s2  }
0x9d: {  	[timem:s6], [sflag:s22] =	dma.local [hbm:s4], s20  }
0x9e: {  	_ =	swait.ge [sflag:s22], s20  }
0x9f: {  	s3 =	ssub.s32 $0x0, s20;
	[sflag:s22] =	ssyncset.done $0x0  }
0xa0: {  	[sflag:s22] =	ssyncadd.s32 s3;
	_ =	sdelay $0x1  }
0xa1: {  	s23 =	simm.s32 $0x1B8B  }
0xa2: {  	_ =	swait.ge [sflag:s23], $0x1  }
0xa3: {  	[sflag:s23] =	ssyncset.done $0x0  }
0xa4: {  	s25 =	simm.s32 $0x1B8E;
	s24 =	sld [smem:$0x3FFE];
	[sflag:s23] =	ssyncadd.s32 $0xFFFFFFFF  }
0xa5: {  	s26 =	simm.s32 $execute0_lowered;
	[smem:$0x3FD2] =	sst s25  }
0xa6: {  	s4 =	sshll.u32 s26, $0x1;
	_ =	strace $0x80000046;
	[dreg:$0x1] =	wrdreg $0xFFFFFFFF  }
0xa7: {  	s28 =	simm.s32 $_size_execute0_lowered;
	s2 =	sadd.s32 s2, s4;
	[dreg:$0x0] =	wrdreg $0x0  }
0xa8: {  	s4 =	sshll.u32 s28, $0x1;
	[dreg:$0x2] =	wrdreg s2  }
0xa9: {  	[dreg:$0x3] =	wrdreg s4  }
0xaa: {  	[dreg:$0x4] =	wrdreg $0xC0  }
0xab: {  	_ =	task [dreg:s6], $0x5FFFF  }
0xac: {  	[dreg:$0x1] =	wrdreg $0xFFFFFFFF  }
0xad: {  	[dreg:$0x0] =	wrdreg $0x60  }
0xae: {  	[dreg:$0x2] =	wrdreg s24  }
0xaf: {  	[dreg:$0x3] =	wrdreg $0x9  }
0xb0: {  	_ =	task.clear_ibuf [dreg:s6], $0x4FFFF;
	_ =	strace $0x90000046  }
0xb1: {  	s29 =	simm.s32 $0x9;
	_ =	strace $0x80000048  }
0xb2: {  	_ =	swait.ge [sflag:s29], $0x1  }
0xb3: {  	[sflag:s29] =	ssyncadd.s32 $0xFFFFFFFF  }
0xb4: {  	_ =	strace $0x90000048  }
0xb5: {  	_ =	sfence  }
0xb6: {  	s30 =	sld [smem:$0x0];
	_ =	sdelay $0x2  }
0xb7: {  	s31 =	sshll.u32 s1, $0xD;
	s1 =	sshrl.u32 s1, $0x2  }
0xb8: {  	s3 =	sand.u32 $0x4000, s31;
	s1 =	sadd.s32 s1, s30  }
0xb9: {  	s0 =	sor.u32 s3, s0;
	s1 =	sshll.u32 s1, $0x11  }
0xba: {  	s0 =	sor.u32 s1, s0  }
0xbb: {  	s0 =	sadd.s32 $0x8F2B, s0  }
0xbc: {  	[sflag:s0] =	ssyncadd.remote.s32 $0x1  }
0xbd: {  	_ =	sfence.sel $0xFFFF  }
0xbe: {  	[dreg:$0x0] =	wrdreg $0xFFFFFFFF;
	(pc) =	sbr.abs _section_cstart, $3  }
0xbf: {  	[dreg:$0x1] =	wrdreg $0xFFFFFFFF  }
0xc0: {  	_ =	task.clear_ibuf [dreg:s6], $0x2FFFF;
	_ =	strace $0x9FFFFFFF  }
0xc1: {  	(tm) =	ssettm $0x7FFFFFFF  }
tec
execute0_lowered:
.L_overlay_start_1:
0x0: {  	(tag) =	ssettag $0x1  }
0x1: {  	s1 =	srdreg.scid;
	s0 =	stileid.u32  }
0x2: {  	s2 =	rddreg [dreg:$0x0];
	s3 =	simm.s32 $0x0;
	s9 =	simm.s32 $0x1  }
0x3: {  	s10 =	simm.s32 $0x80;
	s4 =	sand.u32 $0x1, s1;
	s29 =	sshll.u32 s0, $0x1  }
0x4: {  	s11 =	simm.s32 $0x400;
	s30 =	sshrl.u32 s0, $0x2;
	s5 =	sor.u32 s4, s29  }
0x5: {  	s1 =	rddreg [dreg:$0x1];
	s6 =	smul.u32 $0x54000, s30;
	s7 =	sshll.u32 s5, $0x7  }
0x6: {  	s12 =	simm.s32 $0x0;
	[smem:$0x7FF] =	sst s3;
	s7 =	sand.u32 $0x380, s7  }
0x7: {  	_ =	strace $0x80000047;
	s31 =	ssub.s32 $0x2, s4;
	s6 =	sor.u32 s6, s7  }
0x8: {  	s4 =	sadd.s32 $0x2A0000, s2;
	s8 =	sshrl.u32 s31, $0x1;
	s6 =	sshrl.u32 s6, $0x3  }
0x9: {  	s5 =	smul.u32 $0xA8000, s5;
	s7 =	ssub.s32 s31, s8;
	s6 =	sadd.s32 s6, s2  }
0xa: {  	v0 =	vimm.s32 $0x1;
	s8 =	simm.s32 $0x2000;
	s7 =	smax.u32 s7, $0x1;
	s6 =	sadd.s32 $0x2A1600, s6  }
.LBB2_1:
0xb: {  	[tilespmem:s8], [sflag:$0x1] =	stream.linear.gather [hbm4b:s4+s3], $0xA800, $0x38;
	[tilespmem:$0xC800] =	vst v63  }
0xc: {  	_ =	swait.ge [sflag:s9], $0xA800  }
0xd: {  	[sflag:s9] =	ssyncset.done $0x0  }
0xe: {  	s13 =	simm.s32 $0x0;
	[sflag:s9] =	ssyncadd.s32 $0xFFFF5800  }
.LBB2_2:
0xf: {  	s14 =	sshll.u32 s13, $0xD  }
0x10: {  	s14 =	sadd.s32 s5, s14  }
0x11: {  	s14 =	sshrl.u32 s14, $0x3  }
0x12: {  	s15 =	sadd.s32 s2, s14;
	s14 =	simm.s32 $0x0  }
0x13: {  	[tilespmem:s14], [sflag:$0x1] =	stream.linear.gather [hbm4b:s15+s14], $0x2000, $0x38;
	[tilespmem:$0xC800] =	vst v63  }
0x14: {  	_ =	swait.ge [sflag:s9], $0x2000  }
0x15: {  	[sflag:s9] =	ssyncset.done $0x0  }
0x16: {  	[sflag:s9] =	ssyncadd.s32 $0xFFFFE000  }
.LBB2_3:
0x17: {  	s15 =	sshra.s32 s14, $0x2  }
0x18: {  	v1 =	vld [tilespmem:s15+$0x0];
	_ =	sdelay $0x7  }
0x19: {  	[tilespmem:v1+s8+$0x0] =	vst.idx.add.s32.msk $0xffff, v0  }
0x1a: {  	v1 =	vld [tilespmem:s15+$0x10];
	_ =	sdelay $0x7  }
0x1b: {  	[tilespmem:v1+s8+$0x0] =	vst.idx.add.s32.msk $0xffff, v0  }
0x1c: {  	v1 =	vld [tilespmem:s15+$0x20];
	_ =	sdelay $0x7  }
0x1d: {  	[tilespmem:v1+s8+$0x0] =	vst.idx.add.s32.msk $0xffff, v0  }
0x1e: {  	v1 =	vld [tilespmem:s15+$0x30];
	_ =	sdelay $0x7  }
0x1f: {  	[tilespmem:v1+s8+$0x0] =	vst.idx.add.s32.msk $0xffff, v0  }
0x20: {  	v1 =	vld [tilespmem:s15+$0x40];
	_ =	sdelay $0x7  }
0x21: {  	[tilespmem:v1+s8+$0x0] =	vst.idx.add.s32.msk $0xffff, v0  }
0x22: {  	v1 =	vld [tilespmem:s15+$0x50];
	_ =	sdelay $0x7  }
0x23: {  	[tilespmem:v1+s8+$0x0] =	vst.idx.add.s32.msk $0xffff, v0  }
0x24: {  	v1 =	vld [tilespmem:s15+$0x60];
	_ =	sdelay $0x7  }
0x25: {  	[tilespmem:v1+s8+$0x0] =	vst.idx.add.s32.msk $0xffff, v0  }
0x26: {  	v1 =	vld [tilespmem:s15+$0x70];
	_ =	sdelay $0x2  }
0x27: {  	p0 =	sne.s32 s14, $0x7E00  }
.Ltmp0:
0x28: {  	_ = 	snop;
	(pc) =	sbr.rel @p0 .LBB2_3-.Ltmp0, $2  }
0x29: {  	_ =	sdelay $0x2  }
0x2a: {  	s14 =	sadd.s32 $0x200, s14;
	[tilespmem:v1+s8+$0x0] =	vst.idx.add.s32.msk $0xffff, v0  }
0x2b: {  	s13 =	sadd.s32 $0x1, s13  }
0x2c: {  	p0 =	sne.s32 s13, $0x54  }
.Ltmp1:
0x2d: {  	_ = 	snop;
	(pc) =	sbr.rel @p0 .LBB2_2-.Ltmp1, $1  }
0x2e: {  	_ =	sdelay $0x3  }
0x2f: {  	s12 =	sadd.s32 $0x1, s12  }
0x30: {  	p0 =	sne.s32 s12, s7  }
.Ltmp2:
0x31: {  	_ = 	snop;
	(pc) =	sbr.rel @p0 .LBB2_1-.Ltmp2, $4  }
0x32: {  	[hbm4b:s6+s10] =	stream.strided.scatter [tilespmem:s8], [sflag:$0x1], $0xA800, s11, s10, $0x38;
	[tilespmem:$0xC800] =	vst v63  }
0x33: {  	_ =	swait.ge [sflag:s9], $0xA800  }
0x34: {  	[sflag:s9] =	ssyncset.done $0x0  }
0x35: {  	[sflag:s9] =	ssyncadd.s32 $0xFFFF5800  }
0x36: {  	_ =	sfence.sel $0x180000  }
0x37: {  	[bflag:$0x0] =	sbarrier.arrive $0xFFFF  }
0x38: {  	p0 =	sne.s32 s0, $0x0;
	_ =	strace $0x90000047  }
0x39: {  	s0 =	sadd.s32 @!p0 $0x100000, s1;
	[bflag:$0x2] =	sbarrier.arrive $0xFFFF  }
0x3a: {  	[sflag:s0] =	ssyncadd.tile.s32 @!p0 $0x1;
	_ =	shalt  }
.Lfunc_end2:
_tile_overlayer_lowered:
.L_overlay_start_2:
0x3b: {  	(tag) =	ssettag $0x2  }
0x3c: {  	s0 =	rddreg [dreg:$0x0];
	s2 =	stileid.u32  }
0x3d: {  	s1 =	rddreg [dreg:$0x1];
	p0 =	sne.s32 s2, $0x0  }
0x3e: {  	s3 =	rddreg [dreg:$0x2];
	[bflag:$0x3] =	sbarrier.arrive $0xFFFF;
	s2 =	simm.s32 @!p0 $0x1C01  }
0x3f: {  	[timem:s3], [sflag:s2] =	dma.local @!p0 [hbm:s0], s1  }
0x40: {  	s0 =	simm.s32 @!p0 $0x1  }
0x41: {  	_ =	swait.ge @!p0 [sflag:s0], s1  }
0x42: {  	s1 =	ssub.s32 @!p0 $0x0, s1;
	[sflag:s0] =	ssyncset.done @!p0 $0x0  }
0x43: {  	[sflag:s0] =	ssyncadd.s32 @!p0 s1  }
0x44: {  	[bflag:$0x3] =	sbarrier.arrive $0xFFFF  }
0x45: {  	_ =	shalt  }

</sc_bundles>
